<compile_context>
chip_gen: v7x
topology: tpu7x:2x2x1
jax: 0.10.2.dev20260603
libtpu: 0.0.44.dev20260713+nightly
codegen_flags: <defaults>
</compile_context>

<pallas_src>
import jax
import jax.numpy as jnp
from jax import lax
from jax.experimental import pallas as pl
from jax.experimental.pallas import tpu as pltpu
from jax.experimental.pallas import tpu_sc as plsc

B = 16384
D = 64
V = 1000000
NC = 2
NS = 16
NW = NC * NS
BPW = B // NW
C = 128

RB = 512


def _sc_gather_body(i4h, i5h, t1, t2, ru2_out, ri2_out,
                    i4_v, i5_v, r4_v, r5_v, sem4, sem5):
    wid = lax.axis_index("s") * NC + lax.axis_index("c")
    base = wid * BPW

    pltpu.sync_copy(i5h.at[pl.ds(base, BPW)], i5_v)
    pltpu.sync_copy(i4h.at[pl.ds(base, BPW)], i4_v)

    @pl.loop(0, BPW, step=C)
    def _(c):
        g5 = pltpu.async_copy(t2.at[i5_v.at[pl.ds(c, C)]], r5_v, sem5)
        g4 = pltpu.async_copy(t1.at[i4_v.at[pl.ds(c, C)]], r4_v, sem4)
        g5.wait()
        pltpu.sync_copy(r5_v, ri2_out.at[pl.ds(base + c, C)])
        g4.wait()
        pltpu.sync_copy(r4_v, ru2_out.at[pl.ds(base + c, C)])


def _tc_concat_body(ri2_ref, cv0_ref, ru2_ref, cv3_ref, out_ref):
    out_ref[:, 0 * D:1 * D] = ri2_ref[:, 0:D]
    out_ref[:, 1 * D:2 * D] = cv0_ref[...]
    out_ref[:, 2 * D:3 * D] = ru2_ref[:, 0:D]
    out_ref[:, 3 * D:4 * D] = cv3_ref[...]


def kernel(adj_list_4, adj_list_5, concat_vecs_0, concat_vecs_1,
           concat_vecs_2, concat_vecs_3):
    i4 = adj_list_4.astype(jnp.int32)
    i5 = adj_list_5.astype(jnp.int32)
    t1 = jnp.pad(concat_vecs_1, ((0, 0), (0, D)))
    t2 = jnp.pad(concat_vecs_2, ((0, 0), (0, D)))

    mesh = plsc.VectorSubcoreMesh(core_axis_name="c", subcore_axis_name="s")
    gather_k = pl.kernel(
        _sc_gather_body,
        out_type=(jax.ShapeDtypeStruct((B, 2 * D), jnp.float32),
                  jax.ShapeDtypeStruct((B, 2 * D), jnp.float32)),
        mesh=mesh,
        scratch_types=[
            pltpu.VMEM((BPW,), jnp.int32),
            pltpu.VMEM((BPW,), jnp.int32),
            pltpu.VMEM((C, 2 * D), jnp.float32),
            pltpu.VMEM((C, 2 * D), jnp.float32),
            pltpu.SemaphoreType.DMA,
            pltpu.SemaphoreType.DMA,
        ],
    )
    ru2, ri2 = gather_k(i4, i5, t1, t2)

    spec64 = pl.BlockSpec((RB, D), lambda i: (i, 0))
    spec128 = pl.BlockSpec((RB, 2 * D), lambda i: (i, 0))
    out = pl.pallas_call(
        _tc_concat_body,
        grid=(B // RB,),
        in_specs=[spec128, spec64, spec128, spec64],
        out_specs=pl.BlockSpec((RB, 4 * D), lambda i: (i, 0)),
        out_shape=jax.ShapeDtypeStruct((B, 4 * D), jnp.float32),
    )(ri2, concat_vecs_0, ru2, concat_vecs_3)
    return out

# --- scband reference (transcript-rebuilt; emitter-appended) ---
"""Pipeline reference for scband-gasconcatenation-16758962389083 (READ-ONLY COPY).

The authoritative reference and input builder live on the scoring server;
editing this copy changes nothing except your own understanding.
"""

import jax, jax.numpy as jnp
import numpy as np

B = 16384
VOCAB = 1000000
D = 64

def setup_inputs(seed: int = 0) -> dict:
    key = jax.random.key(seed)
    k1, k2, k3, k4, k5, k6 = jax.random.split(key, 6)
    adj_list_4 = jax.random.randint(k1, (B,), 0, VOCAB, dtype=jnp.int64)
    adj_list_5 = jax.random.randint(k2, (B,), 0, VOCAB, dtype=jnp.int64)
    concat_vecs_0 = jax.random.normal(k3, (B, D), dtype=jnp.float32)
    concat_vecs_1 = jax.random.normal(k4, (VOCAB, D), dtype=jnp.float32)
    concat_vecs_2 = jax.random.normal(k5, (VOCAB, D), dtype=jnp.float32)
    concat_vecs_3 = jax.random.normal(k6, (B, D), dtype=jnp.float32)
    return {
        "adj_list_4": adj_list_4,
        "adj_list_5": adj_list_5,
        "concat_vecs_0": concat_vecs_0,
        "concat_vecs_1": concat_vecs_1,
        "concat_vecs_2": concat_vecs_2,
        "concat_vecs_3": concat_vecs_3,
    }

def reference(adj_list_4, adj_list_5, concat_vecs_0, concat_vecs_1, concat_vecs_2, concat_vecs_3):
    # tf.nn.embedding_lookup(concat_vecs[2], cast(adj_list[5], int32))
    ri = jnp.take(concat_vecs_2, adj_list_5.astype(jnp.int32), axis=0)
    # tf.nn.embedding_lookup(concat_vecs[1], cast(adj_list[4], int32))
    ru = jnp.take(concat_vecs_1, adj_list_4.astype(jnp.int32), axis=0)
    # tf.concat([ri, concat_vecs[0], ru, concat_vecs[3]], axis=1)
    concate_vecs = jnp.concatenate([ri, concat_vecs_0, ru, concat_vecs_3], axis=1)
    return concate_vecs

if __name__ == "__main__":
    import jax
    _d = setup_inputs()
    print(jax.jit(kernel)(*tuple(_d.values())))

</pallas_src>

<mosaic_0001>
#map = affine_map<(d0, d1) -> (0)>
#map1 = affine_map<(d0, d1) -> (0, 0)>
module attributes {stable_mosaic.version = 14 : i64} {
  func.func @_sc_gather_body(%arg0: i32, %arg1: i32, %arg2: memref<16384xi32, #tpu.memory_space<hbm>>, %arg3: memref<16384xi32, #tpu.memory_space<hbm>>, %arg4: memref<1000000x128xf32, #tpu.memory_space<hbm>>, %arg5: memref<1000000x128xf32, #tpu.memory_space<hbm>>, %arg6: memref<16384x128xf32, #tpu.memory_space<hbm>>, %arg7: memref<16384x128xf32, #tpu.memory_space<hbm>>, %arg8: memref<512xi32, #tpu.memory_space<vmem>>, %arg9: memref<512xi32, #tpu.memory_space<vmem>>, %arg10: memref<128x128xf32, #tpu.memory_space<vmem>>, %arg11: memref<128x128xf32, #tpu.memory_space<vmem>>, %arg12: memref<!tpu.dma_semaphore, #tpu.memory_space<semaphore_mem>>, %arg13: memref<!tpu.dma_semaphore, #tpu.memory_space<semaphore_mem>>) attributes {dimension_semantics = [#tpu.dimension_semantics<core_parallel>, #tpu.dimension_semantics<subcore_parallel>], iteration_bounds = array<i64: 2, 16>, scalar_prefetch = 0 : i64, scratch_operands = 6 : i64, tpu.core_type = #tpu.core_type<sc_vector_subcore>, window_params = [{transform_indices = #map}, {transform_indices = #map}, {transform_indices = #map1}, {transform_indices = #map1}, {transform_indices = #map1}, {transform_indices = #map1}]} {
    %mul3A = arith.constant 2 : i32
    %mul3A_0 = arith.muli %arg1, %mul3A : i32
    %add3A = arith.addi %mul3A_0, %arg0 : i32
    %mul3A_1 = arith.constant 512 : i32
    %mul3A_2 = arith.muli %add3A, %mul3A_1 : i32
    "tpu.region"() ({
      %run_scoped3A = tpu.sem_alloc : memref<!tpu.dma_semaphore, #tpu.memory_space<semaphore_mem>>
      %dma_start3A = tpu.memref_slice %arg3[%mul3A_2] : memref<16384xi32, #tpu.memory_space<hbm>> -> memref<512xi32, #tpu.memory_space<hbm>>
      %dma_start3A_7 = tpu.memref_slice %arg3[%mul3A_2] : memref<16384xi32, #tpu.memory_space<hbm>> -> memref<512xi32, #tpu.memory_space<hbm>>
      tpu.enqueue_dma source(%dma_start3A_7 : memref<512xi32, #tpu.memory_space<hbm>>) target(%arg9 : memref<512xi32, #tpu.memory_space<vmem>>) target_semaphore(%run_scoped3A : memref<!tpu.dma_semaphore, #tpu.memory_space<semaphore_mem>>)
      %dma_wait3A = tpu.memref_slice %arg3[%mul3A_2] : memref<16384xi32, #tpu.memory_space<hbm>> -> memref<512xi32, #tpu.memory_space<hbm>>
      %dma_wait3A_8 = tpu.memref_slice %arg3[%mul3A_2] : memref<16384xi32, #tpu.memory_space<hbm>> -> memref<512xi32, #tpu.memory_space<hbm>>
      tpu.wait_dma2 semaphore(%run_scoped3A : memref<!tpu.dma_semaphore, #tpu.memory_space<semaphore_mem>>) src(%dma_wait3A_8 : memref<512xi32, #tpu.memory_space<hbm>>) dst(%arg9 : memref<512xi32, #tpu.memory_space<vmem>>)
      tpu.yield
    }) : () -> ()
    "tpu.region"() ({
      %run_scoped3A = tpu.sem_alloc : memref<!tpu.dma_semaphore, #tpu.memory_space<semaphore_mem>>
      %dma_start3A = tpu.memref_slice %arg2[%mul3A_2] : memref<16384xi32, #tpu.memory_space<hbm>> -> memref<512xi32, #tpu.memory_space<hbm>>
      %dma_start3A_7 = tpu.memref_slice %arg2[%mul3A_2] : memref<16384xi32, #tpu.memory_space<hbm>> -> memref<512xi32, #tpu.memory_space<hbm>>
      tpu.enqueue_dma source(%dma_start3A_7 : memref<512xi32, #tpu.memory_space<hbm>>) target(%arg8 : memref<512xi32, #tpu.memory_space<vmem>>) target_semaphore(%run_scoped3A : memref<!tpu.dma_semaphore, #tpu.memory_space<semaphore_mem>>)
      %dma_wait3A = tpu.memref_slice %arg2[%mul3A_2] : memref<16384xi32, #tpu.memory_space<hbm>> -> memref<512xi32, #tpu.memory_space<hbm>>
      %dma_wait3A_8 = tpu.memref_slice %arg2[%mul3A_2] : memref<16384xi32, #tpu.memory_space<hbm>> -> memref<512xi32, #tpu.memory_space<hbm>>
      tpu.wait_dma2 semaphore(%run_scoped3A : memref<!tpu.dma_semaphore, #tpu.memory_space<semaphore_mem>>) src(%dma_wait3A_8 : memref<512xi32, #tpu.memory_space<hbm>>) dst(%arg8 : memref<512xi32, #tpu.memory_space<vmem>>)
      tpu.yield
    }) : () -> ()
    %scan3A = arith.constant 0 : i32
    %scan3A_3 = arith.constant 4 : i32
    %scan3A_4 = arith.addi %scan3A, %scan3A_3 : i32
    %scan3A_5 = arith.constant 1 : i32
    scf.for %scan3A_7 = %scan3A to %scan3A_4 step %scan3A_5  : i32 {
      %mul3A_8 = arith.constant 128 : i32
      %mul3A_9 = arith.muli %scan3A_7, %mul3A_8 : i32
      %add3A_10 = arith.constant 0 : i32
      %add3A_11 = arith.addi %add3A_10, %mul3A_9 : i32
      %dma_start3A = tpu.memref_slice %arg9[%add3A_11] : memref<512xi32, #tpu.memory_space<vmem>> -> memref<128xi32, #tpu.memory_space<vmem>>
      %dma_start3A_12 = arith.constant 0 : i32
      %dma_start3A_13 = arith.constant 0 : i32
      %dma_start3A_14 = tpu.memref_slice %arg5[%dma_start3A_12, %dma_start3A_13] : memref<1000000x128xf32, #tpu.memory_space<hbm>> -> memref<1000000x128xf32, #tpu.memory_space<hbm>>
      tpu.enqueue_indirect_dma source(%dma_start3A_14 : memref<1000000x128xf32, #tpu.memory_space<hbm>>) target(%arg11 : memref<128x128xf32, #tpu.memory_space<vmem>>) offsets(%dma_start3A : memref<128xi32, #tpu.memory_space<vmem>>) semaphore(%arg13 : memref<!tpu.dma_semaphore, #tpu.memory_space<semaphore_mem>>)
      %dma_start3A_15 = tpu.memref_slice %arg8[%add3A_11] : memref<512xi32, #tpu.memory_space<vmem>> -> memref<128xi32, #tpu.memory_space<vmem>>
      %dma_start3A_16 = arith.constant 0 : i32
      %dma_start3A_17 = arith.constant 0 : i32
      %dma_start3A_18 = tpu.memref_slice %arg4[%dma_start3A_16, %dma_start3A_17] : memref<1000000x128xf32, #tpu.memory_space<hbm>> -> memref<1000000x128xf32, #tpu.memory_space<hbm>>
      tpu.enqueue_indirect_dma source(%dma_start3A_18 : memref<1000000x128xf32, #tpu.memory_space<hbm>>) target(%arg10 : memref<128x128xf32, #tpu.memory_space<vmem>>) offsets(%dma_start3A_15 : memref<128xi32, #tpu.memory_space<vmem>>) semaphore(%arg12 : memref<!tpu.dma_semaphore, #tpu.memory_space<semaphore_mem>>)
      %dma_wait3A = tpu.memref_slice %arg9[%add3A_11] : memref<512xi32, #tpu.memory_space<vmem>> -> memref<128xi32, #tpu.memory_space<vmem>>
      %dma_wait3A_19 = arith.constant 0 : i32
      %dma_wait3A_20 = arith.constant 0 : i32
      %dma_wait3A_21 = tpu.memref_slice %arg5[%dma_wait3A_19, %dma_wait3A_20] : memref<1000000x128xf32, #tpu.memory_space<hbm>> -> memref<1000000x128xf32, #tpu.memory_space<hbm>>
      tpu.wait_indirect_dma semaphore(%arg13 : memref<!tpu.dma_semaphore, #tpu.memory_space<semaphore_mem>>) src(%dma_wait3A_21 : memref<1000000x128xf32, #tpu.memory_space<hbm>>) dst(%arg11 : memref<128x128xf32, #tpu.memory_space<vmem>>)
      %add3A_22 = arith.addi %mul3A_2, %add3A_11 : i32
      "tpu.region"() ({
        %run_scoped3A = tpu.sem_alloc : memref<!tpu.dma_semaphore, #tpu.memory_space<semaphore_mem>>
        %dma_start3A_28 = arith.constant 0 : i32
        %dma_start3A_29 = tpu.memref_slice %arg7[%add3A_22, %dma_start3A_28] : memref<16384x128xf32, #tpu.memory_space<hbm>> -> memref<128x128xf32, #tpu.memory_space<hbm>>
        %dma_start3A_30 = arith.constant 0 : i32
        %dma_start3A_31 = tpu.memref_slice %arg7[%add3A_22, %dma_start3A_30] : memref<16384x128xf32, #tpu.memory_space<hbm>> -> memref<128x128xf32, #tpu.memory_space<hbm>>
        tpu.enqueue_dma source(%arg11 : memref<128x128xf32, #tpu.memory_space<vmem>>) target(%dma_start3A_31 : memref<128x128xf32, #tpu.memory_space<hbm>>) target_semaphore(%run_scoped3A : memref<!tpu.dma_semaphore, #tpu.memory_space<semaphore_mem>>)
        %dma_wait3A_32 = arith.constant 0 : i32
        %dma_wait3A_33 = tpu.memref_slice %arg7[%add3A_22, %dma_wait3A_32] : memref<16384x128xf32, #tpu.memory_space<hbm>> -> memref<128x128xf32, #tpu.memory_space<hbm>>
        %dma_wait3A_34 = arith.constant 0 : i32
        %dma_wait3A_35 = tpu.memref_slice %arg7[%add3A_22, %dma_wait3A_34] : memref<16384x128xf32, #tpu.memory_space<hbm>> -> memref<128x128xf32, #tpu.memory_space<hbm>>
        tpu.wait_dma2 semaphore(%run_scoped3A : memref<!tpu.dma_semaphore, #tpu.memory_space<semaphore_mem>>) src(%arg11 : memref<128x128xf32, #tpu.memory_space<vmem>>) dst(%dma_wait3A_35 : memref<128x128xf32, #tpu.memory_space<hbm>>)
        tpu.yield
      }) : () -> ()
      %dma_wait3A_23 = tpu.memref_slice %arg8[%add3A_11] : memref<512xi32, #tpu.memory_space<vmem>> -> memref<128xi32, #tpu.memory_space<vmem>>
      %dma_wait3A_24 = arith.constant 0 : i32
      %dma_wait3A_25 = arith.constant 0 : i32
      %dma_wait3A_26 = tpu.memref_slice %arg4[%dma_wait3A_24, %dma_wait3A_25] : memref<1000000x128xf32, #tpu.memory_space<hbm>> -> memref<1000000x128xf32, #tpu.memory_space<hbm>>
      tpu.wait_indirect_dma semaphore(%arg12 : memref<!tpu.dma_semaphore, #tpu.memory_space<semaphore_mem>>) src(%dma_wait3A_26 : memref<1000000x128xf32, #tpu.memory_space<hbm>>) dst(%arg10 : memref<128x128xf32, #tpu.memory_space<vmem>>)
      %add3A_27 = arith.addi %mul3A_2, %add3A_11 : i32
      "tpu.region"() ({
        %run_scoped3A = tpu.sem_alloc : memref<!tpu.dma_semaphore, #tpu.memory_space<semaphore_mem>>
        %dma_start3A_28 = arith.constant 0 : i32
        %dma_start3A_29 = tpu.memref_slice %arg6[%add3A_27, %dma_start3A_28] : memref<16384x128xf32, #tpu.memory_space<hbm>> -> memref<128x128xf32, #tpu.memory_space<hbm>>
        %dma_start3A_30 = arith.constant 0 : i32
        %dma_start3A_31 = tpu.memref_slice %arg6[%add3A_27, %dma_start3A_30] : memref<16384x128xf32, #tpu.memory_space<hbm>> -> memref<128x128xf32, #tpu.memory_space<hbm>>
        tpu.enqueue_dma source(%arg10 : memref<128x128xf32, #tpu.memory_space<vmem>>) target(%dma_start3A_31 : memref<128x128xf32, #tpu.memory_space<hbm>>) target_semaphore(%run_scoped3A : memref<!tpu.dma_semaphore, #tpu.memory_space<semaphore_mem>>)
        %dma_wait3A_32 = arith.constant 0 : i32
        %dma_wait3A_33 = tpu.memref_slice %arg6[%add3A_27, %dma_wait3A_32] : memref<16384x128xf32, #tpu.memory_space<hbm>> -> memref<128x128xf32, #tpu.memory_space<hbm>>
        %dma_wait3A_34 = arith.constant 0 : i32
        %dma_wait3A_35 = tpu.memref_slice %arg6[%add3A_27, %dma_wait3A_34] : memref<16384x128xf32, #tpu.memory_space<hbm>> -> memref<128x128xf32, #tpu.memory_space<hbm>>
        tpu.wait_dma2 semaphore(%run_scoped3A : memref<!tpu.dma_semaphore, #tpu.memory_space<semaphore_mem>>) src(%arg10 : memref<128x128xf32, #tpu.memory_space<vmem>>) dst(%dma_wait3A_35 : memref<128x128xf32, #tpu.memory_space<hbm>>)
        tpu.yield
      }) : () -> ()
    }
    %scan3A_6 = arith.constant 4 : i32
    return
  }
}

module attributes {stable_mosaic.version = 14 : i64} {
  func.func @_tc_concat_body(%arg0: i32, %arg1: memref<512x128xf32, #tpu.memory_space<vmem>>, %arg2: memref<512x64xf32, #tpu.memory_space<vmem>>, %arg3: memref<512x128xf32, #tpu.memory_space<vmem>>, %arg4: memref<512x64xf32, #tpu.memory_space<vmem>>, %arg5: memref<512x256xf32, #tpu.memory_space<vmem>>) attributes {dimension_semantics = [#tpu.dimension_semantics<arbitrary>], iteration_bounds = array<i64: 32>, scalar_prefetch = 0 : i64, scratch_operands = 0 : i64, tpu.core_type = #tpu.core_type<tc>, window_params = [{transform_indices = @transform_0, window_bounds = array<i64: 512, 128>}, {transform_indices = @transform_1, window_bounds = array<i64: 512, 64>}, {transform_indices = @transform_2, window_bounds = array<i64: 512, 128>}, {transform_indices = @transform_3, window_bounds = array<i64: 512, 64>}, {transform_indices = @transform_4, window_bounds = array<i64: 512, 256>}]} {
    %get3A = arith.constant 0 : index
    %get3A_0 = arith.constant 0 : index
    %get3A_1 = vector.load %arg1[%get3A, %get3A_0] : memref<512x128xf32, #tpu.memory_space<vmem>>, vector<512x64xf32>
    %swap3A = arith.constant 0 : index
    %swap3A_2 = arith.constant 0 : index
    %swap3A_3 = vector.load %arg5[%swap3A, %swap3A_2] : memref<512x256xf32, #tpu.memory_space<vmem>>, vector<512x64xf32>
    tpu.vector_store %arg5[%swap3A, %swap3A_2], %get3A_1 {strides = array<i32>} : memref<512x256xf32, #tpu.memory_space<vmem>>, vector<512x64xf32>,
    %get3A_4 = arith.constant 0 : index
    %get3A_5 = arith.constant 0 : index
    %get3A_6 = vector.load %arg2[%get3A_4, %get3A_5] : memref<512x64xf32, #tpu.memory_space<vmem>>, vector<512x64xf32>
    %swap3A_7 = arith.constant 0 : index
    %swap3A_8 = arith.constant 64 : index
    %swap3A_9 = vector.load %arg5[%swap3A_7, %swap3A_8] : memref<512x256xf32, #tpu.memory_space<vmem>>, vector<512x64xf32>
    tpu.vector_store %arg5[%swap3A_7, %swap3A_8], %get3A_6 {strides = array<i32>} : memref<512x256xf32, #tpu.memory_space<vmem>>, vector<512x64xf32>,
    %get3A_10 = arith.constant 0 : index
    %get3A_11 = arith.constant 0 : index
    %get3A_12 = vector.load %arg3[%get3A_10, %get3A_11] : memref<512x128xf32, #tpu.memory_space<vmem>>, vector<512x64xf32>
    %swap3A_13 = arith.constant 0 : index
    %swap3A_14 = arith.constant 128 : index
    %swap3A_15 = vector.load %arg5[%swap3A_13, %swap3A_14] : memref<512x256xf32, #tpu.memory_space<vmem>>, vector<512x64xf32>
    tpu.vector_store %arg5[%swap3A_13, %swap3A_14], %get3A_12 {strides = array<i32>} : memref<512x256xf32, #tpu.memory_space<vmem>>, vector<512x64xf32>,
    %get3A_16 = arith.constant 0 : index
    %get3A_17 = arith.constant 0 : index
    %get3A_18 = vector.load %arg4[%get3A_16, %get3A_17] : memref<512x64xf32, #tpu.memory_space<vmem>>, vector<512x64xf32>
    %swap3A_19 = arith.constant 0 : index
    %swap3A_20 = arith.constant 192 : index
    %swap3A_21 = vector.load %arg5[%swap3A_19, %swap3A_20] : memref<512x256xf32, #tpu.memory_space<vmem>>, vector<512x64xf32>
    tpu.vector_store %arg5[%swap3A_19, %swap3A_20], %get3A_18 {strides = array<i32>} : memref<512x256xf32, #tpu.memory_space<vmem>>, vector<512x64xf32>,
    return
  }
  func.func @transform_0(%arg0: i32) -> (i32, i32) {
    %c0_i32 = arith.constant 0 : i32
    %c0_i32_0 = arith.constant 0 : i32
    return %arg0, %c0_i32 : i32, i32
  }
  func.func @transform_1(%arg0: i32) -> (i32, i32) {
    %c0_i32 = arith.constant 0 : i32
    %c0_i32_0 = arith.constant 0 : i32
    return %arg0, %c0_i32 : i32, i32
  }
  func.func @transform_2(%arg0: i32) -> (i32, i32) {
    %c0_i32 = arith.constant 0 : i32
    %c0_i32_0 = arith.constant 0 : i32
    return %arg0, %c0_i32 : i32, i32
  }
  func.func @transform_3(%arg0: i32) -> (i32, i32) {
    %c0_i32 = arith.constant 0 : i32
    %c0_i32_0 = arith.constant 0 : i32
    return %arg0, %c0_i32 : i32, i32
  }
  func.func @transform_4(%arg0: i32) -> (i32, i32) {
    %c0_i32 = arith.constant 0 : i32
    %c0_i32_0 = arith.constant 0 : i32
    return %arg0, %c0_i32 : i32, i32
  }
}

</mosaic_0001>

<sc_bundles>
// kernel: kernel.4.cloned.1.call-start
scs
__scs_entry_jumppad:
0x0: {  	(pc) =	sbr.rel $0x88, $3  }
0x1: {  	(tag) =	ssettag $0x0;
	lr =	simm.s32 $0x1  }
0x2: {  	[smem:$0x3F9B] =	sst lr;
	_ =	strace $0xD0000000  }
0x3: {  	_ = 	snop  }
0x4: {  	_ = 	snop  }
0x5: {  	_ = 	snop  }
0x6: {  	_ = 	snop  }
0x7: {  	_ = 	snop  }
__scs_overlays_trampoline_lowered:
0x8: {  	[smem:$0x3FAA] =	sst s0  }
0x9: {  	[smem:$0x3FAB] =	sst s1  }
0xa: {  	[smem:$0x3FAC] =	sst s2  }
0xb: {  	[smem:$0x3FAD] =	sst s3  }
0xc: {  	[smem:$0x3FAE] =	sst s4  }
0xd: {  	[smem:$0x3FAF] =	sst s5  }
0xe: {  	[smem:$0x3FB0] =	sst s6  }
0xf: {  	[smem:$0x3FB1] =	sst s7  }
0x10: {  	[smem:$0x3FB2] =	sst s8  }
0x11: {  	[smem:$0x3FB3] =	sst s9;
	s0 =	simm.s32 @!p0 $0x0  }
0x12: {  	s1 =	sld [smem:$0x3F99];
	s0 =	simm.s32 @p0 $0x1  }
0x13: {  	[smem:$0x3FB4] =	sst s0;
	s0 =	simm.s32 @!p1 $0x0  }
0x14: {  	s2 =	sld [smem:$0x3F98];
	s0 =	simm.s32 @p1 $0x1  }
0x15: {  	[smem:$0x3FB5] =	sst s0;
	s0 =	simm.s32 @!p2 $0x0  }
0x16: {  	s3 =	sld [smem:$0x3FDB];
	s0 =	simm.s32 @p2 $0x1  }
0x17: {  	s4 =	simm.s32 $0x1BF5;
	[smem:$0x3FB7] =	sst s0  }
0x18: {  	s0 =	sld [smem:$0x3F9A];
	_ =	swait.ge [sflag:s4], $0x0  }
0x19: {  	s7 =	sld [smem:$0x3F9B]  }
0x1a: {  	s8 =	sadd.s32 $0xFFFFE003, lr  }
0x1b: {  	s9 =	sadd.s32 $0xFFFFFEF7, lr;
	s5 =	simm.s32 $0xFFFFFFFF;
	p2 =	slt.u32 s8, $0xFFFFF086  }
0x1c: {  	p1 =	slt.u32 s9, $0xF7A;
	s5 =	simm.s32 @!p2 $0x0  }
0x1d: {  	s5 =	simm.s32 @p1 $0x1;
	p0 =	seq.s32 s7, s2  }
0x1e: {  	s7 =	smul.u32 @!p0 $0xF7A, s2;
	p2 =	seq.s32 @!p0 s5, $0x0  }
0x1f: {  	s9 =	smul.u32 $0xF7A, s1;
	s8 =	simm.s32 @!p0 $0x1BF5;
	p2 =	por !p2, p0  }
0x20: {  	[sflag:s8] =	ssyncset.s32 @!p0 $0xFFFFF086;
	s6 =	sadd.s32 @!p0 s3, s7;
	s7 =	simm.s32 @!p0 $0x108  }
0x21: {  	s3 =	sadd.s32 s3, s9;
	s6 =	sadd.s32 @!p0 $0x88, s6;
	s7 =	simm.s32 @p2 $0x1082  }
0x22: {  	[simem:s7], [sflag:s8] =	dma.local @!p0 [hbm:s6], $0xF7A  }
0x23: {  	s9 =	sor.u32 $0xD0000000, s2;
	s6 =	simm.s32 $0x108;
	_ =	swait.ge @!p0 [sflag:s8], $0x0  }
0x24: {  	s3 =	sadd.s32 $0x88, s3;
	s6 =	simm.s32 @!p1 $0x1082;
	[sflag:s4] =	ssyncset.s32 $0xFFFFF086  }
0x25: {  	[simem:s6], [sflag:s4] =	dma.local [hbm:s3], $0xF7A  }
0x26: {  	[smem:$0x3F9B] =	sst s1;
	(tag) =	ssettag s2;
	_ =	strace s9  }
0x27: {  	s1 =	sld [smem:$0x3FAB]  }
0x28: {  	s2 =	sld [smem:$0x3FAC]  }
0x29: {  	s4 =	sld [smem:$0x3FAE]  }
0x2a: {  	p0 =	seq.s32 s5, $0x0;
	s5 =	sld [smem:$0x3FAF]  }
0x2b: {  	s6 =	sld [smem:$0x3FB0]  }
0x2c: {  	s7 =	sld [smem:$0x3FB1]  }
0x2d: {  	s3 =	simm.s32 $0x108;
	s8 =	sld [smem:$0x3FB2]  }
0x2e: {  	s3 =	simm.s32 @!p0 $0x1082;
	s9 =	sld [smem:$0x3FB3]  }
0x2f: {  	lr =	sadd.s32 s0, s3;
	s0 =	sld [smem:$0x3FAA]  }
0x30: {  	s3 =	sld [smem:$0x3FAD]  }
0x31: {  	[smem:$0x3FB6] =	sst s10  }
0x32: {  	s10 =	sld [smem:$0x3FB4];
	_ =	sdelay $0x3  }
0x33: {  	p0 =	seq.s32 s10, $0x1;
	s10 =	sld [smem:$0x3FB6];
	_ =	sdelay $0x3  }
0x34: {  	[smem:$0x3FB6] =	sst s10  }
0x35: {  	s10 =	sld [smem:$0x3FB5];
	_ =	sdelay $0x3  }
0x36: {  	p1 =	seq.s32 s10, $0x1;
	s10 =	sld [smem:$0x3FB6];
	_ =	sdelay $0x3  }
0x37: {  	[smem:$0x3FB6] =	sst s10  }
0x38: {  	s10 =	sld [smem:$0x3FB7]  }
0x39: {  	_ = 	snop;
	(pc) =	sbr.ind lr, $3  }
0x3a: {  	_ = 	snop  }
0x3b: {  	_ = 	snop  }
0x3c: {  	p2 =	seq.s32 s10, $0x1;
	s10 =	sld [smem:$0x3FB6]  }
0x3d: {  	_ =	shalt  }
0x3e: {  	_ =	shalt  }
0x3f: {  	_ =	shalt  }
0x40: {  	_ =	shalt  }
0x41: {  	_ =	shalt  }
0x42: {  	_ =	shalt  }
0x43: {  	_ =	shalt  }
0x44: {  	_ =	shalt  }
0x45: {  	_ =	shalt  }
0x46: {  	_ =	shalt  }
0x47: {  	_ =	shalt  }
0x48: {  	_ =	shalt  }
0x49: {  	_ =	shalt  }
0x4a: {  	_ =	shalt  }
0x4b: {  	_ =	shalt  }
0x4c: {  	_ =	shalt  }
0x4d: {  	_ =	shalt  }
0x4e: {  	_ =	shalt  }
0x4f: {  	_ =	shalt  }
0x50: {  	_ =	shalt  }
0x51: {  	_ =	shalt  }
0x52: {  	_ =	shalt  }
0x53: {  	_ =	shalt  }
0x54: {  	_ =	shalt  }
0x55: {  	_ =	shalt  }
0x56: {  	_ =	shalt  }
0x57: {  	_ =	shalt  }
0x58: {  	_ =	shalt  }
0x59: {  	_ =	shalt  }
0x5a: {  	_ =	shalt  }
0x5b: {  	_ =	shalt  }
0x5c: {  	_ =	shalt  }
0x5d: {  	_ =	shalt  }
0x5e: {  	_ =	shalt  }
0x5f: {  	_ =	shalt  }
0x60: {  	_ =	shalt  }
0x61: {  	_ =	shalt  }
0x62: {  	_ =	shalt  }
0x63: {  	_ =	shalt  }
0x64: {  	_ =	shalt  }
0x65: {  	_ =	shalt  }
0x66: {  	_ =	shalt  }
0x67: {  	_ =	shalt  }
0x68: {  	_ =	shalt  }
0x69: {  	_ =	shalt  }
0x6a: {  	_ =	shalt  }
0x6b: {  	_ =	shalt  }
0x6c: {  	_ =	shalt  }
0x6d: {  	_ =	shalt  }
0x6e: {  	_ =	shalt  }
0x6f: {  	_ =	shalt  }
0x70: {  	_ =	shalt  }
0x71: {  	_ =	shalt  }
0x72: {  	_ =	shalt  }
0x73: {  	_ =	shalt  }
0x74: {  	_ =	shalt  }
0x75: {  	_ =	shalt  }
0x76: {  	_ =	shalt  }
0x77: {  	_ =	shalt  }
0x78: {  	_ =	shalt  }
0x79: {  	_ =	shalt  }
0x7a: {  	_ =	shalt  }
0x7b: {  	_ =	shalt  }
0x7c: {  	_ =	shalt  }
0x7d: {  	_ =	shalt  }
0x7e: {  	_ =	shalt  }
0x7f: {  	_ =	shalt  }
0x80: {  	_ =	shalt  }
0x81: {  	_ =	shalt  }
0x82: {  	_ =	shalt  }
0x83: {  	_ =	shalt  }
0x84: {  	_ =	shalt  }
0x85: {  	_ =	shalt  }
0x86: {  	_ =	shalt  }
0x87: {  	_ =	shalt  }
.Lfunc_end0:
.L_simem_size_0:
called_computation_lowered:
.L_overlay_start_0:
0x88: {  	s2 =	sld [smem:$0x3FD9]  }
0x89: {  	s3 =	sld [smem:$0x3FFE];
	_ =	sdelay $0x1  }
0x8a: {  	s1 =	srdreg.scid  }
0x8b: {  	s0 =	sand.u32 $0x1, s1  }
0x8c: {  	s17 =	sshll.u32 s0, $0xA;
	s2 =	sadd.s32 s3, s2  }
0x8d: {  	s2 =	sadd.s32 s2, s17  }
0x8e: {  	[smem:$0x3FC2] =	sst s2  }
0x8f: {  	_ = 	snop  }
0x90: {  	s2 =	sld [smem:$0x3FC9]  }
0x91: {  	s18 =	sld [smem:$0x3FC8]  }
0x92: {  	s4 =	sld [smem:$0x3FD0];
	(tm) =	ssettm $0x1  }
0x93: {  	s5 =	sld [smem:$0x3FFB];
	_ =	sdelay $0x3  }
0x94: {  	_ =	strace s5  }
0x95: {  	s5 =	sld [smem:$0x3FFC];
	_ =	sdelay $0x3  }
0x96: {  	_ =	strace s5  }
0x97: {  	s5 =	sld [smem:$0x3FFD];
	_ =	sdelay $0x3  }
0x98: {  	_ =	strace s5  }
0x99: {  	_ =	strace $0x8FFFFFFF  }
0x9a: {  	s19 =	sld [smem:$0x3FDB];
	_ =	sdelay $0x1  }
0x9b: {  	s6 =	simm.s32 $_scs_section_size  }
0x9c: {  	s7 =	simm.s32 $_size__tile_overlayer_lowered;
	s8 =	simm.s32 $_tile_overlayer_lowered  }
0x9d: {  	s22 =	simm.s32 $0x1BFF;
	s21 =	sshll.u32 s8, $0x1;
	s5 =	sadd.s32 s6, s19  }
0x9e: {  	s9 =	simm.s32 $0x0;
	s20 =	sshll.u32 s7, $0x1;
	s7 =	sadd.s32 s21, s5  }
0x9f: {  	[timem:s9], [sflag:s22] =	dma.local [hbm:s7], s20  }
0xa0: {  	_ =	swait.ge [sflag:s22], s20  }
0xa1: {  	s6 =	ssub.s32 $0x0, s20;
	[sflag:s22] =	ssyncset.done $0x0  }
0xa2: {  	[sflag:s22] =	ssyncadd.s32 s6;
	_ =	sdelay $0x1  }
0xa3: {  	s23 =	simm.s32 $0x1B8B  }
0xa4: {  	_ =	swait.ge [sflag:s23], $0x1  }
0xa5: {  	[sflag:s23] =	ssyncset.done $0x0  }
0xa6: {  	s25 =	simm.s32 $0x1B8E;
	s24 =	sld [smem:$0x3FFE];
	[sflag:s23] =	ssyncadd.s32 $0xFFFFFFFF  }
0xa7: {  	s26 =	simm.s32 $execute0_lowered;
	[smem:$0x3FD2] =	sst s25  }
0xa8: {  	s7 =	sshll.u32 s26, $0x1;
	_ =	strace $0x80000046;
	[dreg:$0x1] =	wrdreg $0xFFFFFFFF  }
0xa9: {  	s28 =	simm.s32 $_size_execute0_lowered;
	s5 =	sadd.s32 s5, s7;
	[dreg:$0x0] =	wrdreg $0x0  }
0xaa: {  	s7 =	sshll.u32 s28, $0x1;
	[dreg:$0x2] =	wrdreg s5  }
0xab: {  	[dreg:$0x3] =	wrdreg s7  }
0xac: {  	[dreg:$0x4] =	wrdreg $0xC0  }
0xad: {  	_ =	task [dreg:s9], $0x5FFFF  }
0xae: {  	[dreg:$0x1] =	wrdreg $0xFFFFFFFF  }
0xaf: {  	[dreg:$0x0] =	wrdreg $0x60  }
0xb0: {  	[dreg:$0x2] =	wrdreg s2  }
0xb1: {  	[dreg:$0x3] =	wrdreg s18  }
0xb2: {  	[dreg:$0x4] =	wrdreg s24  }
0xb3: {  	[dreg:$0x5] =	wrdreg s4  }
0xb4: {  	[dreg:$0x6] =	wrdreg $0x9  }
0xb5: {  	_ =	task.clear_ibuf [dreg:s9], $0x7FFFF;
	_ =	strace $0x90000046  }
0xb6: {  	s29 =	simm.s32 $0x9;
	_ =	strace $0x80000048  }
0xb7: {  	_ =	swait.ge [sflag:s29], $0x1  }
0xb8: {  	[sflag:s29] =	ssyncadd.s32 $0xFFFFFFFF  }
0xb9: {  	_ =	strace $0x90000048  }
0xba: {  	_ =	sfence  }
0xbb: {  	s30 =	sld [smem:$0x0];
	_ =	sdelay $0x2  }
0xbc: {  	s31 =	sshll.u32 s1, $0xD;
	s1 =	sshrl.u32 s1, $0x2  }
0xbd: {  	s3 =	sand.u32 $0x4000, s31;
	s1 =	sadd.s32 s1, s30  }
0xbe: {  	s0 =	sor.u32 s3, s0;
	s1 =	sshll.u32 s1, $0x11  }
0xbf: {  	s0 =	sor.u32 s1, s0  }
0xc0: {  	s0 =	sadd.s32 $0x8F2B, s0  }
0xc1: {  	[sflag:s0] =	ssyncadd.remote.s32 $0x1  }
0xc2: {  	_ =	sfence.sel $0xFFFF  }
0xc3: {  	[dreg:$0x0] =	wrdreg $0xFFFFFFFF;
	(pc) =	sbr.abs _section_cstart, $3  }
0xc4: {  	[dreg:$0x1] =	wrdreg $0xFFFFFFFF  }
0xc5: {  	_ =	task.clear_ibuf [dreg:s9], $0x2FFFF;
	_ =	strace $0x9FFFFFFF  }
0xc6: {  	(tm) =	ssettm $0x7FFFFFFF  }
0xc7: {  	_ =	shalt  }
tec
execute0_lowered:
.L_overlay_start_1:
0x0: {  	(tag) =	ssettag $0x1  }
0x1: {  	s6 =	rddreg [dreg:$0x0]  }
0x2: {  	s3 =	rddreg [dreg:$0x1]  }
0x3: {  	s15 =	rddreg [dreg:$0x2];
	s2 =	srdreg.scid  }
0x4: {  	s25 =	rddreg [dreg:$0x3];
	s1 =	stileid.u32;
	s26 =	sand.u32 $0x1, s2  }
0x5: {  	s2 =	simm.s32 $0x0;
	s4 =	sshll.u32 s1, $0xA;
	s5 =	sshll.u32 s26, $0x9  }
0x6: {  	[smem:$0x7FF] =	sst s2;
	s13 =	sor.u32 s5, s4  }
0x7: {  	s0 =	rddreg [dreg:$0x4];
	_ =	strace $0x80000047;
	s7 =	sshrl.u32 s13, $0x3  }
0x8: {  	s5 =	simm.s32 $0x200;
	s4 =	simm.s32 $0x3;
	s3 =	sadd.s32 s3, s7  }
0x9: {  	[tilespmem:s5], [sflag:$0x3] =	stream.linear.gather [hbm4b:s3+s2], $0x200, $0x38;
	[tilespmem:$0x8400] =	vst v63  }
0xa: {  	_ =	swait.ge [sflag:s4], $0x200  }
0xb: {  	[sflag:s4] =	ssyncset.done $0x0  }
0xc: {  	s6 =	sadd.s32 s6, s7;
	[sflag:s4] =	ssyncadd.s32 $0xFFFFFE00  }
0xd: {  	[tilespmem:s2], [sflag:$0x3] =	stream.linear.gather [hbm4b:s6+s2], $0x200, $0x38;
	[tilespmem:$0x8400] =	vst v63  }
0xe: {  	_ =	swait.ge [sflag:s4], $0x200  }
0xf: {  	s8 =	simm.s32 $0x80;
	[sflag:s4] =	ssyncset.done $0x0  }
0x10: {  	s9 =	simm.s32 $0x4400;
	s7 =	sadd.s32 $0xE00, s15;
	[sflag:s4] =	ssyncadd.s32 $0xFFFFFE00  }
0x11: {  	[tilespmem:s9], [sflag:$0x2] =	stream.indirect.gather [hbm4b:s7+s8], $0x80, s5, s8, $0xb8;
	[tilespmem:$0x8400] =	vst v63  }
0x12: {  	s11 =	simm.s32 $0x400;
	s12 =	simm.s32 $0x2;
	s10 =	sadd.s32 $0x1E85600, s15  }
0x13: {  	[tilespmem:s11], [sflag:$0x1] =	stream.indirect.gather [hbm4b:s10+s8], $0x80, s2, s8, $0xb8;
	[tilespmem:$0x8400] =	vst v63  }
0x14: {  	_ =	swait.ge [sflag:s12], $0x4000  }
0x15: {  	s29 =	sshll.u32 s13, $0x4;
	[sflag:s12] =	ssyncset.done $0x0  }
0x16: {  	s13 =	sadd.s32 s25, s29;
	[sflag:s12] =	ssyncadd.s32 $0xFFFFC000  }
0x17: {  	[hbm4b:s13+s2] =	stream.linear.scatter [tilespmem:s9], [sflag:$0x3], $0x4000, $0x38;
	[tilespmem:$0x8400] =	vst v63  }
0x18: {  	_ =	swait.ge [sflag:s4], $0x4000  }
0x19: {  	[sflag:s4] =	ssyncset.done $0x0  }
0x1a: {  	s14 =	simm.s32 $0x1;
	[sflag:s4] =	ssyncadd.s32 $0xFFFFC000  }
0x1b: {  	_ =	swait.ge [sflag:s14], $0x4000  }
0x1c: {  	s28 =	sadd.s32 $0xF43200, s15;
	[sflag:s14] =	ssyncset.done $0x0  }
0x1d: {  	s15 =	sadd.s32 s28, s29;
	[sflag:s14] =	ssyncadd.s32 $0xFFFFC000  }
0x1e: {  	[hbm4b:s15+s2] =	stream.linear.scatter [tilespmem:s11], [sflag:$0x3], $0x4000, $0x38;
	[tilespmem:$0x8400] =	vst v63  }
0x1f: {  	_ =	swait.ge [sflag:s4], $0x4000  }
0x20: {  	[sflag:s4] =	ssyncset.done $0x0  }
0x21: {  	s16 =	simm.s32 $0x280;
	[sflag:s4] =	ssyncadd.s32 $0xFFFFC000  }
0x22: {  	[tilespmem:s9], [sflag:$0x2] =	stream.indirect.gather [hbm4b:s7+s8], $0x80, s16, s8, $0xb8;
	[tilespmem:$0x8400] =	vst v63  }
0x23: {  	_ = 	snop  }
0x24: {  	[tilespmem:s11], [sflag:$0x1] =	stream.indirect.gather [hbm4b:s10+s8], $0x80, s8, s8, $0xb8;
	[tilespmem:$0x8400] =	vst v63  }
0x25: {  	_ =	swait.ge [sflag:s12], $0x4000  }
0x26: {  	s18 =	sor.u32 $0x800, s29;
	[sflag:s12] =	ssyncset.done $0x0  }
0x27: {  	s17 =	sadd.s32 s25, s18;
	[sflag:s12] =	ssyncadd.s32 $0xFFFFC000  }
0x28: {  	[hbm4b:s17+s2] =	stream.linear.scatter [tilespmem:s9], [sflag:$0x3], $0x4000, $0x38;
	[tilespmem:$0x8400] =	vst v63  }
0x29: {  	_ =	swait.ge [sflag:s4], $0x4000  }
0x2a: {  	[sflag:s4] =	ssyncset.done $0x0  }
0x2b: {  	[sflag:s4] =	ssyncadd.s32 $0xFFFFC000  }
0x2c: {  	_ =	swait.ge [sflag:s14], $0x4000  }
0x2d: {  	[sflag:s14] =	ssyncset.done $0x0  }
0x2e: {  	s18 =	sadd.s32 s28, s18;
	[sflag:s14] =	ssyncadd.s32 $0xFFFFC000  }
0x2f: {  	[hbm4b:s18+s2] =	stream.linear.scatter [tilespmem:s11], [sflag:$0x3], $0x4000, $0x38;
	[tilespmem:$0x8400] =	vst v63  }
0x30: {  	_ =	swait.ge [sflag:s4], $0x4000  }
0x31: {  	[sflag:s4] =	ssyncset.done $0x0  }
0x32: {  	s19 =	simm.s32 $0x300;
	[sflag:s4] =	ssyncadd.s32 $0xFFFFC000  }
0x33: {  	[tilespmem:s9], [sflag:$0x2] =	stream.indirect.gather [hbm4b:s7+s8], $0x80, s19, s8, $0xb8;
	[tilespmem:$0x8400] =	vst v63  }
0x34: {  	s20 =	simm.s32 $0x100  }
0x35: {  	[tilespmem:s11], [sflag:$0x1] =	stream.indirect.gather [hbm4b:s10+s8], $0x80, s20, s8, $0xb8;
	[tilespmem:$0x8400] =	vst v63  }
0x36: {  	_ =	swait.ge [sflag:s12], $0x4000  }
0x37: {  	s22 =	sor.u32 $0x1000, s29;
	[sflag:s12] =	ssyncset.done $0x0  }
0x38: {  	s21 =	sadd.s32 s25, s22;
	[sflag:s12] =	ssyncadd.s32 $0xFFFFC000  }
0x39: {  	[hbm4b:s21+s2] =	stream.linear.scatter [tilespmem:s9], [sflag:$0x3], $0x4000, $0x38;
	[tilespmem:$0x8400] =	vst v63  }
0x3a: {  	_ =	swait.ge [sflag:s4], $0x4000  }
0x3b: {  	[sflag:s4] =	ssyncset.done $0x0  }
0x3c: {  	[sflag:s4] =	ssyncadd.s32 $0xFFFFC000  }
0x3d: {  	_ =	swait.ge [sflag:s14], $0x4000  }
0x3e: {  	[sflag:s14] =	ssyncset.done $0x0  }
0x3f: {  	s22 =	sadd.s32 s28, s22;
	[sflag:s14] =	ssyncadd.s32 $0xFFFFC000  }
0x40: {  	[hbm4b:s22+s2] =	stream.linear.scatter [tilespmem:s11], [sflag:$0x3], $0x4000, $0x38;
	[tilespmem:$0x8400] =	vst v63  }
0x41: {  	_ =	swait.ge [sflag:s4], $0x4000  }
0x42: {  	[sflag:s4] =	ssyncset.done $0x0  }
0x43: {  	s23 =	simm.s32 $0x380;
	[sflag:s4] =	ssyncadd.s32 $0xFFFFC000  }
0x44: {  	[tilespmem:s9], [sflag:$0x2] =	stream.indirect.gather [hbm4b:s7+s8], $0x80, s23, s8, $0xb8;
	[tilespmem:$0x8400] =	vst v63  }
0x45: {  	s24 =	simm.s32 $0x180  }
0x46: {  	[tilespmem:s11], [sflag:$0x1] =	stream.indirect.gather [hbm4b:s10+s8], $0x80, s24, s8, $0xb8;
	[tilespmem:$0x8400] =	vst v63  }
0x47: {  	_ =	swait.ge [sflag:s12], $0x4000  }
0x48: {  	s29 =	sor.u32 $0x1800, s29;
	[sflag:s12] =	ssyncset.done $0x0  }
0x49: {  	s26 =	ssub.s32 $0x2, s26;
	s25 =	sadd.s32 s25, s29;
	[sflag:s12] =	ssyncadd.s32 $0xFFFFC000  }
0x4a: {  	[hbm4b:s25+s2] =	stream.linear.scatter [tilespmem:s9], [sflag:$0x3], $0x4000, $0x38;
	[tilespmem:$0x8400] =	vst v63  }
0x4b: {  	s30 =	sshrl.u32 s26, $0x1;
	_ =	swait.ge [sflag:s4], $0x4000  }
0x4c: {  	s30 =	ssub.s32 s26, s30;
	[sflag:s4] =	ssyncset.done $0x0  }
0x4d: {  	s26 =	sadd.s32 s28, s29;
	s28 =	smax.u32 s30, $0x1;
	[sflag:s4] =	ssyncadd.s32 $0xFFFFC000  }
0x4e: {  	p0 =	sne.s32 s28, $0x1;
	_ =	swait.ge [sflag:s14], $0x4000  }
.Ltmp0:
0x4f: {  	[sflag:s14] =	ssyncset.done $0x0;
	(pc) =	sbr.rel @!p0 .LBB2_2-.Ltmp0, $4  }
0x50: {  	[sflag:s14] =	ssyncadd.s32 $0xFFFFC000  }
0x51: {  	[hbm4b:s26+s2] =	stream.linear.scatter [tilespmem:s11], [sflag:$0x3], $0x4000, $0x38;
	[tilespmem:$0x8400] =	vst v63  }
0x52: {  	_ =	swait.ge [sflag:s4], $0x4000  }
0x53: {  	s28 =	sadd.s32 $0xFFFFFFFF, s28;
	[sflag:s4] =	ssyncset.done $0x0  }
.LBB2_1:
0x54: {  	p0 =	sne.s32 s28, $0x1;
	s28 =	sadd.s32 $0xFFFFFFFF, s28;
	[sflag:s4] =	ssyncadd.s32 $0xFFFFC000  }
0x55: {  	[tilespmem:s5], [sflag:$0x3] =	stream.linear.gather [hbm4b:s3+s2], $0x200, $0x38;
	[tilespmem:$0x8400] =	vst v63  }
0x56: {  	_ =	swait.ge [sflag:s4], $0x200  }
0x57: {  	[sflag:s4] =	ssyncset.done $0x0  }
0x58: {  	[sflag:s4] =	ssyncadd.s32 $0xFFFFFE00  }
0x59: {  	[tilespmem:s2], [sflag:$0x3] =	stream.linear.gather [hbm4b:s6+s2], $0x200, $0x38;
	[tilespmem:$0x8400] =	vst v63  }
0x5a: {  	_ =	swait.ge [sflag:s4], $0x200  }
0x5b: {  	[sflag:s4] =	ssyncset.done $0x0  }
0x5c: {  	[sflag:s4] =	ssyncadd.s32 $0xFFFFFE00  }
0x5d: {  	[tilespmem:s9], [sflag:$0x2] =	stream.indirect.gather [hbm4b:s7+s8], $0x80, s5, s8, $0xb8;
	[tilespmem:$0x8400] =	vst v63  }
0x5e: {  	_ = 	snop  }
0x5f: {  	[tilespmem:s11], [sflag:$0x1] =	stream.indirect.gather [hbm4b:s10+s8], $0x80, s2, s8, $0xb8;
	[tilespmem:$0x8400] =	vst v63  }
0x60: {  	_ =	swait.ge [sflag:s12], $0x4000  }
0x61: {  	[sflag:s12] =	ssyncset.done $0x0  }
0x62: {  	[sflag:s12] =	ssyncadd.s32 $0xFFFFC000  }
0x63: {  	[hbm4b:s13+s2] =	stream.linear.scatter [tilespmem:s9], [sflag:$0x3], $0x4000, $0x38;
	[tilespmem:$0x8400] =	vst v63  }
0x64: {  	_ =	swait.ge [sflag:s4], $0x4000  }
0x65: {  	[sflag:s4] =	ssyncset.done $0x0  }
0x66: {  	[sflag:s4] =	ssyncadd.s32 $0xFFFFC000  }
0x67: {  	_ =	swait.ge [sflag:s14], $0x4000  }
0x68: {  	[sflag:s14] =	ssyncset.done $0x0  }
0x69: {  	[sflag:s14] =	ssyncadd.s32 $0xFFFFC000  }
0x6a: {  	[hbm4b:s15+s2] =	stream.linear.scatter [tilespmem:s11], [sflag:$0x3], $0x4000, $0x38;
	[tilespmem:$0x8400] =	vst v63  }
0x6b: {  	_ =	swait.ge [sflag:s4], $0x4000  }
0x6c: {  	[sflag:s4] =	ssyncset.done $0x0  }
0x6d: {  	[sflag:s4] =	ssyncadd.s32 $0xFFFFC000  }
0x6e: {  	[tilespmem:s9], [sflag:$0x2] =	stream.indirect.gather [hbm4b:s7+s8], $0x80, s16, s8, $0xb8;
	[tilespmem:$0x8400] =	vst v63  }
0x6f: {  	_ = 	snop  }
0x70: {  	[tilespmem:s11], [sflag:$0x1] =	stream.indirect.gather [hbm4b:s10+s8], $0x80, s8, s8, $0xb8;
	[tilespmem:$0x8400] =	vst v63  }
0x71: {  	_ =	swait.ge [sflag:s12], $0x4000  }
0x72: {  	[sflag:s12] =	ssyncset.done $0x0  }
0x73: {  	[sflag:s12] =	ssyncadd.s32 $0xFFFFC000  }
0x74: {  	[hbm4b:s17+s2] =	stream.linear.scatter [tilespmem:s9], [sflag:$0x3], $0x4000, $0x38;
	[tilespmem:$0x8400] =	vst v63  }
0x75: {  	_ =	swait.ge [sflag:s4], $0x4000  }
0x76: {  	[sflag:s4] =	ssyncset.done $0x0  }
0x77: {  	[sflag:s4] =	ssyncadd.s32 $0xFFFFC000  }
0x78: {  	_ =	swait.ge [sflag:s14], $0x4000  }
0x79: {  	[sflag:s14] =	ssyncset.done $0x0  }
0x7a: {  	[sflag:s14] =	ssyncadd.s32 $0xFFFFC000  }
0x7b: {  	[hbm4b:s18+s2] =	stream.linear.scatter [tilespmem:s11], [sflag:$0x3], $0x4000, $0x38;
	[tilespmem:$0x8400] =	vst v63  }
0x7c: {  	_ =	swait.ge [sflag:s4], $0x4000  }
0x7d: {  	[sflag:s4] =	ssyncset.done $0x0  }
0x7e: {  	[sflag:s4] =	ssyncadd.s32 $0xFFFFC000  }
0x7f: {  	[tilespmem:s9], [sflag:$0x2] =	stream.indirect.gather [hbm4b:s7+s8], $0x80, s19, s8, $0xb8;
	[tilespmem:$0x8400] =	vst v63  }
0x80: {  	_ = 	snop  }
0x81: {  	[tilespmem:s11], [sflag:$0x1] =	stream.indirect.gather [hbm4b:s10+s8], $0x80, s20, s8, $0xb8;
	[tilespmem:$0x8400] =	vst v63  }
0x82: {  	_ =	swait.ge [sflag:s12], $0x4000  }
0x83: {  	[sflag:s12] =	ssyncset.done $0x0  }
0x84: {  	[sflag:s12] =	ssyncadd.s32 $0xFFFFC000  }
0x85: {  	[hbm4b:s21+s2] =	stream.linear.scatter [tilespmem:s9], [sflag:$0x3], $0x4000, $0x38;
	[tilespmem:$0x8400] =	vst v63  }
0x86: {  	_ =	swait.ge [sflag:s4], $0x4000  }
0x87: {  	[sflag:s4] =	ssyncset.done $0x0  }
0x88: {  	[sflag:s4] =	ssyncadd.s32 $0xFFFFC000  }
0x89: {  	_ =	swait.ge [sflag:s14], $0x4000  }
0x8a: {  	[sflag:s14] =	ssyncset.done $0x0  }
0x8b: {  	[sflag:s14] =	ssyncadd.s32 $0xFFFFC000  }
0x8c: {  	[hbm4b:s22+s2] =	stream.linear.scatter [tilespmem:s11], [sflag:$0x3], $0x4000, $0x38;
	[tilespmem:$0x8400] =	vst v63  }
0x8d: {  	_ =	swait.ge [sflag:s4], $0x4000  }
0x8e: {  	[sflag:s4] =	ssyncset.done $0x0  }
0x8f: {  	[sflag:s4] =	ssyncadd.s32 $0xFFFFC000  }
0x90: {  	[tilespmem:s9], [sflag:$0x2] =	stream.indirect.gather [hbm4b:s7+s8], $0x80, s23, s8, $0xb8;
	[tilespmem:$0x8400] =	vst v63  }
0x91: {  	_ = 	snop  }
0x92: {  	[tilespmem:s11], [sflag:$0x1] =	stream.indirect.gather [hbm4b:s10+s8], $0x80, s24, s8, $0xb8;
	[tilespmem:$0x8400] =	vst v63  }
0x93: {  	_ =	swait.ge [sflag:s12], $0x4000  }
0x94: {  	[sflag:s12] =	ssyncset.done $0x0  }
0x95: {  	[sflag:s12] =	ssyncadd.s32 $0xFFFFC000  }
0x96: {  	[hbm4b:s25+s2] =	stream.linear.scatter [tilespmem:s9], [sflag:$0x3], $0x4000, $0x38;
	[tilespmem:$0x8400] =	vst v63  }
0x97: {  	_ =	swait.ge [sflag:s4], $0x4000  }
0x98: {  	[sflag:s4] =	ssyncset.done $0x0  }
0x99: {  	[sflag:s4] =	ssyncadd.s32 $0xFFFFC000  }
0x9a: {  	_ =	swait.ge [sflag:s14], $0x4000  }
.Ltmp1:
0x9b: {  	[sflag:s14] =	ssyncset.done $0x0;
	(pc) =	sbr.rel @p0 .LBB2_1-.Ltmp1, $4  }
0x9c: {  	[sflag:s14] =	ssyncadd.s32 $0xFFFFC000  }
0x9d: {  	[hbm4b:s26+s2] =	stream.linear.scatter [tilespmem:s11], [sflag:$0x3], $0x4000, $0x38;
	[tilespmem:$0x8400] =	vst v63  }
0x9e: {  	_ =	swait.ge [sflag:s4], $0x4000  }
0x9f: {  	[sflag:s4] =	ssyncset.done $0x0  }
.LBB2_2:
0xa0: {  	[sflag:s4] =	ssyncadd.s32 $0xFFFFC000  }
0xa1: {  	_ =	sfence.sel $0x180000  }
0xa2: {  	[bflag:$0x0] =	sbarrier.arrive $0xFFFF  }
0xa3: {  	p0 =	sne.s32 s1, $0x0;
	_ =	strace $0x90000047  }
0xa4: {  	s0 =	sadd.s32 @!p0 $0x100000, s0;
	[bflag:$0x2] =	sbarrier.arrive $0xFFFF  }
0xa5: {  	[sflag:s0] =	ssyncadd.tile.s32 @!p0 $0x1;
	_ =	shalt  }
.Lfunc_end2:
_tile_overlayer_lowered:
.L_overlay_start_2:
0xa6: {  	(tag) =	ssettag $0x2  }
0xa7: {  	s0 =	rddreg [dreg:$0x0];
	s2 =	stileid.u32  }
0xa8: {  	s1 =	rddreg [dreg:$0x1];
	p0 =	sne.s32 s2, $0x0  }
0xa9: {  	s3 =	rddreg [dreg:$0x2];
	[bflag:$0x3] =	sbarrier.arrive $0xFFFF;
	s2 =	simm.s32 @!p0 $0x1C03  }
0xaa: {  	[timem:s3], [sflag:s2] =	dma.local @!p0 [hbm:s0], s1  }
0xab: {  	s0 =	simm.s32 @!p0 $0x3  }
0xac: {  	_ =	swait.ge @!p0 [sflag:s0], s1  }
0xad: {  	s1 =	ssub.s32 @!p0 $0x0, s1;
	[sflag:s0] =	ssyncset.done @!p0 $0x0  }
0xae: {  	[sflag:s0] =	ssyncadd.s32 @!p0 s1  }
0xaf: {  	[bflag:$0x3] =	sbarrier.arrive $0xFFFF  }
0xb0: {  	_ =	shalt  }

</sc_bundles>
